<compile_context>
chip_gen: v7x
topology: tpu7x:2x2x1
jax: 0.10.2.dev20260603
libtpu: 0.0.44.dev20260713+nightly
codegen_flags: <defaults>
</compile_context>

<pallas_src>
import jax
import jax.numpy as jnp
from jax import lax
from jax.experimental import pallas as pl
from jax.experimental.pallas import tpu as pltpu
from jax.experimental.pallas import tpu_sc as plsc

B = 64
L = 512
D = 1024
EPS = 1e-12
LANES = 16
NW = 32
PW = L // NW
TB = 256
NT = B * L // TB


def _sc_gather_body(idst_h, tok_h, out_h, idxt_v, idx_v, rows,
                    gsem0, gsem1, osem0, osem1):
    wid = lax.axis_index("s") * 2 + lax.axis_index("c")
    p0 = wid * PW
    gsem = (gsem0, gsem1)
    osem = (osem0, osem1)

    pltpu.sync_copy(idst_h.at[pl.ds(p0, PW), :], idxt_v)
    lane = lax.iota(jnp.int32, LANES)

    def _tr(b, _):
        idx_v[b, :] = plsc.load_gather(
            idxt_v, [lane, jnp.full((LANES,), b, jnp.int32)])
        return 0
    lax.fori_loop(0, B, _tr, 0)

    def _gather(b, par):
        return pltpu.async_copy(tok_h.at[idx_v.at[b]], rows.at[par], gsem[par])

    _gather(0, 0)

    def bstep(b2, _):
        for par in (0, 1):
            b = 2 * b2 + par

            @pl.when(b >= 1)
            def _():
                pltpu.make_async_copy(rows.at[1 - par],
                                      out_h.at[b - 1, pl.ds(p0, PW), :],
                                      osem[1 - par]).wait()

            @pl.when(b + 1 < B)
            def _():
                _gather(b + 1, 1 - par)

            pltpu.make_async_copy(tok_h.at[idx_v.at[b]], rows.at[par],
                                  gsem[par]).wait()
            pltpu.async_copy(rows.at[par], out_h.at[b, pl.ds(p0, PW), :],
                             osem[par])
        return 0

    lax.fori_loop(0, B // 2, bstep, 0)
    pltpu.make_async_copy(rows.at[1], out_h.at[B - 1, pl.ds(p0, PW), :],
                          osem[1]).wait()


def _tc_ln_body(x_ref, pos_ref, ttf_ref, seg_ref, gam_ref, bet_ref, o_ref):
    x = x_ref[...] + pos_ref[...]
    seg0 = seg_ref[0:1, :]
    segd = seg_ref[1:2, :] - seg0
    x = x + seg0 + ttf_ref[...] * segd
    mean = jnp.mean(x, axis=-1, keepdims=True)
    xc = x - mean
    var = jnp.mean(xc * xc, axis=-1, keepdims=True)
    y = xc * lax.rsqrt(var + EPS)
    o_ref[...] = y * gam_ref[...] + bet_ref[...]


@jax.jit
def kernel(input_ids, token_type_ids, tok_emb, pos_emb, seg_emb, gamma, beta):
    mesh = plsc.VectorSubcoreMesh(core_axis_name="c", subcore_axis_name="s",
                                  num_cores=2, num_subcores=16)
    gathered = pl.kernel(
        _sc_gather_body,
        out_type=jax.ShapeDtypeStruct((B, L, D), jnp.float32),
        mesh=mesh,
        compiler_params=pltpu.CompilerParams(needs_layout_passes=False),
        scratch_types=[
            pltpu.VMEM((PW, B), jnp.int32),
            pltpu.VMEM((B, PW), jnp.int32),
            pltpu.VMEM((2, PW, D), jnp.float32),
            pltpu.SemaphoreType.DMA,
            pltpu.SemaphoreType.DMA,
            pltpu.SemaphoreType.DMA,
            pltpu.SemaphoreType.DMA,
        ],
    )(input_ids.T, tok_emb)

    ttf = token_type_ids.reshape(B * L, 1).astype(jnp.float32)
    out = pl.pallas_call(
        _tc_ln_body,
        grid=(NT,),
        in_specs=[
            pl.BlockSpec((TB, D), lambda i: (i, 0)),
            pl.BlockSpec((TB, D), lambda i: (i % (L // TB), 0)),
            pl.BlockSpec((TB, 1), lambda i: (i, 0)),
            pl.BlockSpec((2, D), lambda i: (0, 0)),
            pl.BlockSpec((1, D), lambda i: (0, 0)),
            pl.BlockSpec((1, D), lambda i: (0, 0)),
        ],
        out_specs=pl.BlockSpec((TB, D), lambda i: (i, 0)),
        out_shape=jax.ShapeDtypeStruct((B * L, D), jnp.float32),
        compiler_params=pltpu.CompilerParams(
            dimension_semantics=("parallel",)),
    )(gathered.reshape(B * L, D), pos_emb, ttf, seg_emb,
      gamma.reshape(1, D), beta.reshape(1, D))
    return out.reshape(B, L, D)

# --- scband reference (transcript-rebuilt; emitter-appended) ---
"""Pipeline reference for scband-bert-embeddings-79946521247814 (READ-ONLY COPY).

The authoritative reference and input builder live on the scoring server;
editing this copy changes nothing except your own understanding.
"""

import jax, jax.numpy as jnp
import numpy as np

VOCAB = 30522
D = 1024
MAX_LEN = 512
NUM_SEG = 2
EPS = 1e-12
B = 64
L = 512


def setup_inputs(seed: int = 0) -> dict:
    key = jax.random.key(seed)
    k1, k2, k3, k4, k5 = jax.random.split(key, 5)
    input_ids = jax.random.randint(k1, (B, L), 0, VOCAB, dtype=jnp.int32)
    token_type_ids = jax.random.randint(k2, (B, L), 0, NUM_SEG, dtype=jnp.int32)
    tok_emb = jax.random.normal(k3, (VOCAB, D), dtype=jnp.float32) * 0.02
    pos_emb = jax.random.normal(k4, (MAX_LEN, D), dtype=jnp.float32) * 0.02
    seg_emb = jax.random.normal(k5, (NUM_SEG, D), dtype=jnp.float32) * 0.02
    gamma = jnp.ones((D,), dtype=jnp.float32)
    beta = jnp.zeros((D,), dtype=jnp.float32)
    return {
        "input_ids": input_ids,
        "token_type_ids": token_type_ids,
        "tok_emb": tok_emb,
        "pos_emb": pos_emb,
        "seg_emb": seg_emb,
        "gamma": gamma,
        "beta": beta,
    }


def reference(input_ids, token_type_ids, tok_emb, pos_emb, seg_emb, gamma, beta):
    # token + position + segment embeddings (gathers)
    Lcur = input_ids.shape[1]
    position_ids = jnp.arange(Lcur, dtype=jnp.int32)[None, :]
    x = jnp.take(tok_emb, input_ids, axis=0)
    x = x + jnp.take(pos_emb, position_ids, axis=0)
    x = x + jnp.take(seg_emb, token_type_ids, axis=0)
    # LayerNorm (eps=1e-12), dropout p=0.0 (identity in eval)
    mean = jnp.mean(x, axis=-1, keepdims=True)
    var = jnp.mean(jnp.square(x - mean), axis=-1, keepdims=True)
    x = (x - mean) / jnp.sqrt(var + EPS)
    x = x * gamma + beta
    return x

if __name__ == "__main__":
    import jax
    _d = setup_inputs()
    print(jax.jit(kernel)(*tuple(_d.values())))

</pallas_src>

<mosaic_0001>
#map = affine_map<(d0, d1) -> (0, 0)>
#map1 = affine_map<(d0, d1) -> (0, 0, 0)>
module attributes {stable_mosaic.version = 14 : i64} {
  func.func @_sc_gather_body(%arg0: i32, %arg1: i32, %arg2: memref<512x64xi32, #tpu.memory_space<hbm>>, %arg3: memref<30522x1024xf32, #tpu.memory_space<hbm>>, %arg4: memref<64x512x1024xf32, #tpu.memory_space<hbm>>, %arg5: memref<16x64xi32, #tpu.memory_space<vmem>>, %arg6: memref<64x16xi32, #tpu.memory_space<vmem>>, %arg7: memref<2x16x1024xf32, #tpu.memory_space<vmem>>, %arg8: memref<!tpu.dma_semaphore, #tpu.memory_space<semaphore_mem>>, %arg9: memref<!tpu.dma_semaphore, #tpu.memory_space<semaphore_mem>>, %arg10: memref<!tpu.dma_semaphore, #tpu.memory_space<semaphore_mem>>, %arg11: memref<!tpu.dma_semaphore, #tpu.memory_space<semaphore_mem>>) attributes {dimension_semantics = [#tpu.dimension_semantics<core_parallel>, #tpu.dimension_semantics<subcore_parallel>], iteration_bounds = array<i64: 2, 16>, scalar_prefetch = 0 : i64, scratch_operands = 7 : i64, tpu.core_type = #tpu.core_type<sc_vector_subcore>, window_params = [{transform_indices = #map}, {transform_indices = #map}, {transform_indices = #map1}]} {
    %mul3A = arith.constant 2 : i32
    %mul3A_0 = arith.muli %arg1, %mul3A : i32
    %add3A = arith.addi %mul3A_0, %arg0 : i32
    %mul3A_1 = arith.constant 16 : i32
    %mul3A_2 = arith.muli %add3A, %mul3A_1 : i32
    "tpu.region"() ({
      %run_scoped3A = tpu.sem_alloc : memref<!tpu.dma_semaphore, #tpu.memory_space<semaphore_mem>>
      %dma_start3A_42 = arith.constant 0 : i32
      %dma_start3A_43 = tpu.memref_slice %arg2[%mul3A_2, %dma_start3A_42] : memref<512x64xi32, #tpu.memory_space<hbm>> -> memref<16x64xi32, #tpu.memory_space<hbm>>
      %dma_start3A_44 = arith.constant 0 : i32
      %dma_start3A_45 = tpu.memref_slice %arg2[%mul3A_2, %dma_start3A_44] : memref<512x64xi32, #tpu.memory_space<hbm>> -> memref<16x64xi32, #tpu.memory_space<hbm>>
      tpu.enqueue_dma source(%dma_start3A_45 : memref<16x64xi32, #tpu.memory_space<hbm>>) target(%arg5 : memref<16x64xi32, #tpu.memory_space<vmem>>) target_semaphore(%run_scoped3A : memref<!tpu.dma_semaphore, #tpu.memory_space<semaphore_mem>>)
      %dma_wait3A_46 = arith.constant 0 : i32
      %dma_wait3A_47 = tpu.memref_slice %arg2[%mul3A_2, %dma_wait3A_46] : memref<512x64xi32, #tpu.memory_space<hbm>> -> memref<16x64xi32, #tpu.memory_space<hbm>>
      %dma_wait3A_48 = arith.constant 0 : i32
      %dma_wait3A_49 = tpu.memref_slice %arg2[%mul3A_2, %dma_wait3A_48] : memref<512x64xi32, #tpu.memory_space<hbm>> -> memref<16x64xi32, #tpu.memory_space<hbm>>
      tpu.wait_dma2 semaphore(%run_scoped3A : memref<!tpu.dma_semaphore, #tpu.memory_space<semaphore_mem>>) src(%dma_wait3A_49 : memref<16x64xi32, #tpu.memory_space<hbm>>) dst(%arg5 : memref<16x64xi32, #tpu.memory_space<vmem>>)
      tpu.yield
    }) : () -> ()
    %iota3A = tpu.iota {dimensions = array<i32: 0>} : vector<16xi32>
    %scan3A = arith.constant 0 : i32
    %scan3A_3 = arith.constant 0 : i32
    %scan3A_4 = arith.constant 64 : i32
    %scan3A_5 = arith.addi %scan3A_3, %scan3A_4 : i32
    %scan3A_6 = arith.constant 1 : i32
    %scan3A_7 = scf.for %scan3A_42 = %scan3A_3 to %scan3A_5 step %scan3A_6 iter_args(%scan3A_43 = %scan3A) -> (i32)  : i32 {
      %broadcast_in_dim3A = vector.broadcast %scan3A_42 : i32 to vector<16xi32>
      %gather3A = tpu.vector_load_idx %arg5[%iota3A, %broadcast_in_dim3A] : memref<16x64xi32, #tpu.memory_space<vmem>>[vector<16xi32>, vector<16xi32>], vector<16xi32>,
      %swap3A = arith.index_cast %scan3A_42 : i32 to index
      %swap3A_44 = arith.constant 0 : index
      %swap3A_45 = tpu.vector_load %arg6[%swap3A, %swap3A_44] {strides = array<i32>} : memref<64x16xi32, #tpu.memory_space<vmem>>, vector<16xi32>,
      tpu.vector_store %arg6[%swap3A, %swap3A_44], %gather3A {strides = array<i32>} : memref<64x16xi32, #tpu.memory_space<vmem>>, vector<16xi32>,
      %scan3A_46 = arith.constant 0 : i32
      scf.yield %scan3A_46 : i32
    }
    %scan3A_8 = arith.constant 64 : i32
    %dma_start3A = arith.constant 0 : i32
    %dma_start3A_9 = arith.constant 0 : i32
    %dma_start3A_10 = arith.constant 0 : i32
    %dma_start3A_11 = arith.constant 0 : i32
    %dma_start3A_12 = tpu.memref_slice %arg7[%dma_start3A_9, %dma_start3A_10, %dma_start3A_11] : memref<2x16x1024xf32, #tpu.memory_space<vmem>> -> memref<1x16x1024xf32, #tpu.memory_space<vmem>>
    %dma_start3A_13 = tpu.memref_squeeze %dma_start3A_12 : memref<1x16x1024xf32, #tpu.memory_space<vmem>> -> memref<16x1024xf32, #tpu.memory_space<vmem>>
    %dma_start3A_14 = arith.constant 0 : i32
    %dma_start3A_15 = tpu.memref_slice %arg6[%dma_start3A, %dma_start3A_14] : memref<64x16xi32, #tpu.memory_space<vmem>> -> memref<1x16xi32, #tpu.memory_space<vmem>>
    %dma_start3A_16 = tpu.memref_squeeze %dma_start3A_15 : memref<1x16xi32, #tpu.memory_space<vmem>> -> memref<16xi32, #tpu.memory_space<vmem>>
    %dma_start3A_17 = arith.constant 0 : i32
    %dma_start3A_18 = arith.constant 0 : i32
    %dma_start3A_19 = tpu.memref_slice %arg3[%dma_start3A_17, %dma_start3A_18] : memref<30522x1024xf32, #tpu.memory_space<hbm>> -> memref<30522x1024xf32, #tpu.memory_space<hbm>>
    tpu.enqueue_indirect_dma source(%dma_start3A_19 : memref<30522x1024xf32, #tpu.memory_space<hbm>>) target(%dma_start3A_13 : memref<16x1024xf32, #tpu.memory_space<vmem>>) offsets(%dma_start3A_16 : memref<16xi32, #tpu.memory_space<vmem>>) semaphore(%arg8 : memref<!tpu.dma_semaphore, #tpu.memory_space<semaphore_mem>>)
    %scan3A_20 = arith.constant 0 : i32
    %scan3A_21 = arith.constant 0 : i32
    %scan3A_22 = arith.constant 32 : i32
    %scan3A_23 = arith.addi %scan3A_21, %scan3A_22 : i32
    %scan3A_24 = arith.constant 1 : i32
    %scan3A_25 = scf.for %scan3A_42 = %scan3A_21 to %scan3A_23 step %scan3A_24 iter_args(%scan3A_43 = %scan3A_20) -> (i32)  : i32 {
      %mul3A_44 = arith.constant 2 : i32
      %mul3A_45 = arith.muli %mul3A_44, %scan3A_42 : i32
      %add3A_46 = arith.constant 0 : i32
      %add3A_47 = arith.addi %mul3A_45, %add3A_46 : i32
      %ge3A = arith.constant 1 : i32
      %ge3A_48 = arith.cmpi sge, %add3A_47, %ge3A : i32
      %convert_element_type3A = arith.extui %ge3A_48 : i1 to i32
      %cond3A = arith.constant 0 : i32
      %cond3A_49 = arith.cmpi ne, %convert_element_type3A, %cond3A : i32
      scf.if %cond3A_49 {
        %sub3A = arith.constant 1 : i32
        %sub3A_125 = arith.subi %add3A_47, %sub3A : i32
        %dma_wait3A_126 = arith.constant 1 : i32
        %dma_wait3A_127 = arith.constant 0 : i32
        %dma_wait3A_128 = arith.constant 0 : i32
        %dma_wait3A_129 = tpu.memref_slice %arg7[%dma_wait3A_126, %dma_wait3A_127, %dma_wait3A_128] : memref<2x16x1024xf32, #tpu.memory_space<vmem>> -> memref<1x16x1024xf32, #tpu.memory_space<vmem>>
        %dma_wait3A_130 = tpu.memref_squeeze %dma_wait3A_129 : memref<1x16x1024xf32, #tpu.memory_space<vmem>> -> memref<16x1024xf32, #tpu.memory_space<vmem>>
        %dma_wait3A_131 = arith.constant 0 : i32
        %dma_wait3A_132 = tpu.memref_slice %arg4[%sub3A_125, %mul3A_2, %dma_wait3A_131] : memref<64x512x1024xf32, #tpu.memory_space<hbm>> -> memref<1x16x1024xf32, #tpu.memory_space<hbm>>
        %dma_wait3A_133 = tpu.memref_squeeze %dma_wait3A_132 : memref<1x16x1024xf32, #tpu.memory_space<hbm>> -> memref<16x1024xf32, #tpu.memory_space<hbm>>
        %dma_wait3A_134 = arith.constant 0 : i32
        %dma_wait3A_135 = tpu.memref_slice %arg4[%sub3A_125, %mul3A_2, %dma_wait3A_134] : memref<64x512x1024xf32, #tpu.memory_space<hbm>> -> memref<1x16x1024xf32, #tpu.memory_space<hbm>>
        %dma_wait3A_136 = tpu.memref_squeeze %dma_wait3A_135 : memref<1x16x1024xf32, #tpu.memory_space<hbm>> -> memref<16x1024xf32, #tpu.memory_space<hbm>>
        %dma_wait3A_137 = arith.constant 0 : i32
        %dma_wait3A_138 = arith.constant 0 : i32
        %dma_wait3A_139 = tpu.memref_slice %arg7[%dma_wait3A_126, %dma_wait3A_137, %dma_wait3A_138] : memref<2x16x1024xf32, #tpu.memory_space<vmem>> -> memref<1x16x1024xf32, #tpu.memory_space<vmem>>
        %dma_wait3A_140 = tpu.memref_squeeze %dma_wait3A_139 : memref<1x16x1024xf32, #tpu.memory_space<vmem>> -> memref<16x1024xf32, #tpu.memory_space<vmem>>
        tpu.wait_dma2 semaphore(%arg11 : memref<!tpu.dma_semaphore, #tpu.memory_space<semaphore_mem>>) src(%dma_wait3A_140 : memref<16x1024xf32, #tpu.memory_space<vmem>>) dst(%dma_wait3A_136 : memref<16x1024xf32, #tpu.memory_space<hbm>>)
      } else {
      }
      %add3A_50 = arith.constant 1 : i32
      %add3A_51 = arith.addi %add3A_47, %add3A_50 : i32
      %lt3A = arith.constant 64 : i32
      %lt3A_52 = arith.cmpi slt, %add3A_51, %lt3A : i32
      %convert_element_type3A_53 = arith.extui %lt3A_52 : i1 to i32
      %cond3A_54 = arith.constant 0 : i32
      %cond3A_55 = arith.cmpi ne, %convert_element_type3A_53, %cond3A_54 : i32
      scf.if %cond3A_55 {
        %add3A_125 = arith.constant 1 : i32
        %add3A_126 = arith.addi %add3A_47, %add3A_125 : i32
        %dma_start3A_127 = arith.constant 1 : i32
        %dma_start3A_128 = arith.constant 0 : i32
        %dma_start3A_129 = arith.constant 0 : i32
        %dma_start3A_130 = tpu.memref_slice %arg7[%dma_start3A_127, %dma_start3A_128, %dma_start3A_129] : memref<2x16x1024xf32, #tpu.memory_space<vmem>> -> memref<1x16x1024xf32, #tpu.memory_space<vmem>>
        %dma_start3A_131 = tpu.memref_squeeze %dma_start3A_130 : memref<1x16x1024xf32, #tpu.memory_space<vmem>> -> memref<16x1024xf32, #tpu.memory_space<vmem>>
        %dma_start3A_132 = arith.constant 0 : i32
        %dma_start3A_133 = tpu.memref_slice %arg6[%add3A_126, %dma_start3A_132] : memref<64x16xi32, #tpu.memory_space<vmem>> -> memref<1x16xi32, #tpu.memory_space<vmem>>
        %dma_start3A_134 = tpu.memref_squeeze %dma_start3A_133 : memref<1x16xi32, #tpu.memory_space<vmem>> -> memref<16xi32, #tpu.memory_space<vmem>>
        %dma_start3A_135 = arith.constant 0 : i32
        %dma_start3A_136 = arith.constant 0 : i32
        %dma_start3A_137 = tpu.memref_slice %arg3[%dma_start3A_135, %dma_start3A_136] : memref<30522x1024xf32, #tpu.memory_space<hbm>> -> memref<30522x1024xf32, #tpu.memory_space<hbm>>
        tpu.enqueue_indirect_dma source(%dma_start3A_137 : memref<30522x1024xf32, #tpu.memory_space<hbm>>) target(%dma_start3A_131 : memref<16x1024xf32, #tpu.memory_space<vmem>>) offsets(%dma_start3A_134 : memref<16xi32, #tpu.memory_space<vmem>>) semaphore(%arg9 : memref<!tpu.dma_semaphore, #tpu.memory_space<semaphore_mem>>)
      } else {
      }
      %dma_wait3A_56 = arith.constant 0 : i32
      %dma_wait3A_57 = arith.constant 0 : i32
      %dma_wait3A_58 = arith.constant 0 : i32
      %dma_wait3A_59 = tpu.memref_slice %arg7[%dma_wait3A_56, %dma_wait3A_57, %dma_wait3A_58] : memref<2x16x1024xf32, #tpu.memory_space<vmem>> -> memref<1x16x1024xf32, #tpu.memory_space<vmem>>
      %dma_wait3A_60 = tpu.memref_squeeze %dma_wait3A_59 : memref<1x16x1024xf32, #tpu.memory_space<vmem>> -> memref<16x1024xf32, #tpu.memory_space<vmem>>
      %dma_wait3A_61 = arith.constant 0 : i32
      %dma_wait3A_62 = tpu.memref_slice %arg6[%add3A_47, %dma_wait3A_61] : memref<64x16xi32, #tpu.memory_space<vmem>> -> memref<1x16xi32, #tpu.memory_space<vmem>>
      %dma_wait3A_63 = tpu.memref_squeeze %dma_wait3A_62 : memref<1x16xi32, #tpu.memory_space<vmem>> -> memref<16xi32, #tpu.memory_space<vmem>>
      %dma_wait3A_64 = arith.constant 0 : i32
      %dma_wait3A_65 = arith.constant 0 : i32
      %dma_wait3A_66 = tpu.memref_slice %arg3[%dma_wait3A_64, %dma_wait3A_65] : memref<30522x1024xf32, #tpu.memory_space<hbm>> -> memref<30522x1024xf32, #tpu.memory_space<hbm>>
      tpu.wait_indirect_dma semaphore(%arg8 : memref<!tpu.dma_semaphore, #tpu.memory_space<semaphore_mem>>) src(%dma_wait3A_66 : memref<30522x1024xf32, #tpu.memory_space<hbm>>) dst(%dma_wait3A_60 : memref<16x1024xf32, #tpu.memory_space<vmem>>)
      %dma_start3A_67 = arith.constant 0 : i32
      %dma_start3A_68 = arith.constant 0 : i32
      %dma_start3A_69 = arith.constant 0 : i32
      %dma_start3A_70 = tpu.memref_slice %arg7[%dma_start3A_67, %dma_start3A_68, %dma_start3A_69] : memref<2x16x1024xf32, #tpu.memory_space<vmem>> -> memref<1x16x1024xf32, #tpu.memory_space<vmem>>
      %dma_start3A_71 = tpu.memref_squeeze %dma_start3A_70 : memref<1x16x1024xf32, #tpu.memory_space<vmem>> -> memref<16x1024xf32, #tpu.memory_space<vmem>>
      %dma_start3A_72 = arith.constant 0 : i32
      %dma_start3A_73 = tpu.memref_slice %arg4[%add3A_47, %mul3A_2, %dma_start3A_72] : memref<64x512x1024xf32, #tpu.memory_space<hbm>> -> memref<1x16x1024xf32, #tpu.memory_space<hbm>>
      %dma_start3A_74 = tpu.memref_squeeze %dma_start3A_73 : memref<1x16x1024xf32, #tpu.memory_space<hbm>> -> memref<16x1024xf32, #tpu.memory_space<hbm>>
      %dma_start3A_75 = arith.constant 0 : i32
      %dma_start3A_76 = tpu.memref_slice %arg4[%add3A_47, %mul3A_2, %dma_start3A_75] : memref<64x512x1024xf32, #tpu.memory_space<hbm>> -> memref<1x16x1024xf32, #tpu.memory_space<hbm>>
      %dma_start3A_77 = tpu.memref_squeeze %dma_start3A_76 : memref<1x16x1024xf32, #tpu.memory_space<hbm>> -> memref<16x1024xf32, #tpu.memory_space<hbm>>
      %dma_start3A_78 = arith.constant 0 : i32
      %dma_start3A_79 = arith.constant 0 : i32
      %dma_start3A_80 = tpu.memref_slice %arg7[%dma_start3A_67, %dma_start3A_78, %dma_start3A_79] : memref<2x16x1024xf32, #tpu.memory_space<vmem>> -> memref<1x16x1024xf32, #tpu.memory_space<vmem>>
      %dma_start3A_81 = tpu.memref_squeeze %dma_start3A_80 : memref<1x16x1024xf32, #tpu.memory_space<vmem>> -> memref<16x1024xf32, #tpu.memory_space<vmem>>
      tpu.enqueue_dma source(%dma_start3A_81 : memref<16x1024xf32, #tpu.memory_space<vmem>>) target(%dma_start3A_77 : memref<16x1024xf32, #tpu.memory_space<hbm>>) target_semaphore(%arg10 : memref<!tpu.dma_semaphore, #tpu.memory_space<semaphore_mem>>)
      %mul3A_82 = arith.constant 2 : i32
      %mul3A_83 = arith.muli %mul3A_82, %scan3A_42 : i32
      %add3A_84 = arith.constant 1 : i32
      %add3A_85 = arith.addi %mul3A_83, %add3A_84 : i32
      %ge3A_86 = arith.constant 1 : i32
      %ge3A_87 = arith.cmpi sge, %add3A_85, %ge3A_86 : i32
      %convert_element_type3A_88 = arith.extui %ge3A_87 : i1 to i32
      %cond3A_89 = arith.constant 0 : i32
      %cond3A_90 = arith.cmpi ne, %convert_element_type3A_88, %cond3A_89 : i32
      scf.if %cond3A_90 {
        %sub3A = arith.constant 1 : i32
        %sub3A_125 = arith.subi %add3A_85, %sub3A : i32
        %dma_wait3A_126 = arith.constant 0 : i32
        %dma_wait3A_127 = arith.constant 0 : i32
        %dma_wait3A_128 = arith.constant 0 : i32
        %dma_wait3A_129 = tpu.memref_slice %arg7[%dma_wait3A_126, %dma_wait3A_127, %dma_wait3A_128] : memref<2x16x1024xf32, #tpu.memory_space<vmem>> -> memref<1x16x1024xf32, #tpu.memory_space<vmem>>
        %dma_wait3A_130 = tpu.memref_squeeze %dma_wait3A_129 : memref<1x16x1024xf32, #tpu.memory_space<vmem>> -> memref<16x1024xf32, #tpu.memory_space<vmem>>
        %dma_wait3A_131 = arith.constant 0 : i32
        %dma_wait3A_132 = tpu.memref_slice %arg4[%sub3A_125, %mul3A_2, %dma_wait3A_131] : memref<64x512x1024xf32, #tpu.memory_space<hbm>> -> memref<1x16x1024xf32, #tpu.memory_space<hbm>>
        %dma_wait3A_133 = tpu.memref_squeeze %dma_wait3A_132 : memref<1x16x1024xf32, #tpu.memory_space<hbm>> -> memref<16x1024xf32, #tpu.memory_space<hbm>>
        %dma_wait3A_134 = arith.constant 0 : i32
        %dma_wait3A_135 = tpu.memref_slice %arg4[%sub3A_125, %mul3A_2, %dma_wait3A_134] : memref<64x512x1024xf32, #tpu.memory_space<hbm>> -> memref<1x16x1024xf32, #tpu.memory_space<hbm>>
        %dma_wait3A_136 = tpu.memref_squeeze %dma_wait3A_135 : memref<1x16x1024xf32, #tpu.memory_space<hbm>> -> memref<16x1024xf32, #tpu.memory_space<hbm>>
        %dma_wait3A_137 = arith.constant 0 : i32
        %dma_wait3A_138 = arith.constant 0 : i32
        %dma_wait3A_139 = tpu.memref_slice %arg7[%dma_wait3A_126, %dma_wait3A_137, %dma_wait3A_138] : memref<2x16x1024xf32, #tpu.memory_space<vmem>> -> memref<1x16x1024xf32, #tpu.memory_space<vmem>>
        %dma_wait3A_140 = tpu.memref_squeeze %dma_wait3A_139 : memref<1x16x1024xf32, #tpu.memory_space<vmem>> -> memref<16x1024xf32, #tpu.memory_space<vmem>>
        tpu.wait_dma2 semaphore(%arg10 : memref<!tpu.dma_semaphore, #tpu.memory_space<semaphore_mem>>) src(%dma_wait3A_140 : memref<16x1024xf32, #tpu.memory_space<vmem>>) dst(%dma_wait3A_136 : memref<16x1024xf32, #tpu.memory_space<hbm>>)
      } else {
      }
      %add3A_91 = arith.constant 1 : i32
      %add3A_92 = arith.addi %add3A_85, %add3A_91 : i32
      %lt3A_93 = arith.constant 64 : i32
      %lt3A_94 = arith.cmpi slt, %add3A_92, %lt3A_93 : i32
      %convert_element_type3A_95 = arith.extui %lt3A_94 : i1 to i32
      %cond3A_96 = arith.constant 0 : i32
      %cond3A_97 = arith.cmpi ne, %convert_element_type3A_95, %cond3A_96 : i32
      scf.if %cond3A_97 {
        %add3A_125 = arith.constant 1 : i32
        %add3A_126 = arith.addi %add3A_85, %add3A_125 : i32
        %dma_start3A_127 = arith.constant 0 : i32
        %dma_start3A_128 = arith.constant 0 : i32
        %dma_start3A_129 = arith.constant 0 : i32
        %dma_start3A_130 = tpu.memref_slice %arg7[%dma_start3A_127, %dma_start3A_128, %dma_start3A_129] : memref<2x16x1024xf32, #tpu.memory_space<vmem>> -> memref<1x16x1024xf32, #tpu.memory_space<vmem>>
        %dma_start3A_131 = tpu.memref_squeeze %dma_start3A_130 : memref<1x16x1024xf32, #tpu.memory_space<vmem>> -> memref<16x1024xf32, #tpu.memory_space<vmem>>
        %dma_start3A_132 = arith.constant 0 : i32
        %dma_start3A_133 = tpu.memref_slice %arg6[%add3A_126, %dma_start3A_132] : memref<64x16xi32, #tpu.memory_space<vmem>> -> memref<1x16xi32, #tpu.memory_space<vmem>>
        %dma_start3A_134 = tpu.memref_squeeze %dma_start3A_133 : memref<1x16xi32, #tpu.memory_space<vmem>> -> memref<16xi32, #tpu.memory_space<vmem>>
        %dma_start3A_135 = arith.constant 0 : i32
        %dma_start3A_136 = arith.constant 0 : i32
        %dma_start3A_137 = tpu.memref_slice %arg3[%dma_start3A_135, %dma_start3A_136] : memref<30522x1024xf32, #tpu.memory_space<hbm>> -> memref<30522x1024xf32, #tpu.memory_space<hbm>>
        tpu.enqueue_indirect_dma source(%dma_start3A_137 : memref<30522x1024xf32, #tpu.memory_space<hbm>>) target(%dma_start3A_131 : memref<16x1024xf32, #tpu.memory_space<vmem>>) offsets(%dma_start3A_134 : memref<16xi32, #tpu.memory_space<vmem>>) semaphore(%arg8 : memref<!tpu.dma_semaphore, #tpu.memory_space<semaphore_mem>>)
      } else {
      }
      %dma_wait3A_98 = arith.constant 1 : i32
      %dma_wait3A_99 = arith.constant 0 : i32
      %dma_wait3A_100 = arith.constant 0 : i32
      %dma_wait3A_101 = tpu.memref_slice %arg7[%dma_wait3A_98, %dma_wait3A_99, %dma_wait3A_100] : memref<2x16x1024xf32, #tpu.memory_space<vmem>> -> memref<1x16x1024xf32, #tpu.memory_space<vmem>>
      %dma_wait3A_102 = tpu.memref_squeeze %dma_wait3A_101 : memref<1x16x1024xf32, #tpu.memory_space<vmem>> -> memref<16x1024xf32, #tpu.memory_space<vmem>>
      %dma_wait3A_103 = arith.constant 0 : i32
      %dma_wait3A_104 = tpu.memref_slice %arg6[%add3A_85, %dma_wait3A_103] : memref<64x16xi32, #tpu.memory_space<vmem>> -> memref<1x16xi32, #tpu.memory_space<vmem>>
      %dma_wait3A_105 = tpu.memref_squeeze %dma_wait3A_104 : memref<1x16xi32, #tpu.memory_space<vmem>> -> memref<16xi32, #tpu.memory_space<vmem>>
      %dma_wait3A_106 = arith.constant 0 : i32
      %dma_wait3A_107 = arith.constant 0 : i32
      %dma_wait3A_108 = tpu.memref_slice %arg3[%dma_wait3A_106, %dma_wait3A_107] : memref<30522x1024xf32, #tpu.memory_space<hbm>> -> memref<30522x1024xf32, #tpu.memory_space<hbm>>
      tpu.wait_indirect_dma semaphore(%arg9 : memref<!tpu.dma_semaphore, #tpu.memory_space<semaphore_mem>>) src(%dma_wait3A_108 : memref<30522x1024xf32, #tpu.memory_space<hbm>>) dst(%dma_wait3A_102 : memref<16x1024xf32, #tpu.memory_space<vmem>>)
      %dma_start3A_109 = arith.constant 1 : i32
      %dma_start3A_110 = arith.constant 0 : i32
      %dma_start3A_111 = arith.constant 0 : i32
      %dma_start3A_112 = tpu.memref_slice %arg7[%dma_start3A_109, %dma_start3A_110, %dma_start3A_111] : memref<2x16x1024xf32, #tpu.memory_space<vmem>> -> memref<1x16x1024xf32, #tpu.memory_space<vmem>>
      %dma_start3A_113 = tpu.memref_squeeze %dma_start3A_112 : memref<1x16x1024xf32, #tpu.memory_space<vmem>> -> memref<16x1024xf32, #tpu.memory_space<vmem>>
      %dma_start3A_114 = arith.constant 0 : i32
      %dma_start3A_115 = tpu.memref_slice %arg4[%add3A_85, %mul3A_2, %dma_start3A_114] : memref<64x512x1024xf32, #tpu.memory_space<hbm>> -> memref<1x16x1024xf32, #tpu.memory_space<hbm>>
      %dma_start3A_116 = tpu.memref_squeeze %dma_start3A_115 : memref<1x16x1024xf32, #tpu.memory_space<hbm>> -> memref<16x1024xf32, #tpu.memory_space<hbm>>
      %dma_start3A_117 = arith.constant 0 : i32
      %dma_start3A_118 = tpu.memref_slice %arg4[%add3A_85, %mul3A_2, %dma_start3A_117] : memref<64x512x1024xf32, #tpu.memory_space<hbm>> -> memref<1x16x1024xf32, #tpu.memory_space<hbm>>
      %dma_start3A_119 = tpu.memref_squeeze %dma_start3A_118 : memref<1x16x1024xf32, #tpu.memory_space<hbm>> -> memref<16x1024xf32, #tpu.memory_space<hbm>>
      %dma_start3A_120 = arith.constant 0 : i32
      %dma_start3A_121 = arith.constant 0 : i32
      %dma_start3A_122 = tpu.memref_slice %arg7[%dma_start3A_109, %dma_start3A_120, %dma_start3A_121] : memref<2x16x1024xf32, #tpu.memory_space<vmem>> -> memref<1x16x1024xf32, #tpu.memory_space<vmem>>
      %dma_start3A_123 = tpu.memref_squeeze %dma_start3A_122 : memref<1x16x1024xf32, #tpu.memory_space<vmem>> -> memref<16x1024xf32, #tpu.memory_space<vmem>>
      tpu.enqueue_dma source(%dma_start3A_123 : memref<16x1024xf32, #tpu.memory_space<vmem>>) target(%dma_start3A_119 : memref<16x1024xf32, #tpu.memory_space<hbm>>) target_semaphore(%arg11 : memref<!tpu.dma_semaphore, #tpu.memory_space<semaphore_mem>>)
      %scan3A_124 = arith.constant 0 : i32
      scf.yield %scan3A_124 : i32
    }
    %scan3A_26 = arith.constant 32 : i32
    %dma_wait3A = arith.constant 1 : i32
    %dma_wait3A_27 = arith.constant 63 : i32
    %dma_wait3A_28 = arith.constant 0 : i32
    %dma_wait3A_29 = arith.constant 0 : i32
    %dma_wait3A_30 = tpu.memref_slice %arg7[%dma_wait3A, %dma_wait3A_28, %dma_wait3A_29] : memref<2x16x1024xf32, #tpu.memory_space<vmem>> -> memref<1x16x1024xf32, #tpu.memory_space<vmem>>
    %dma_wait3A_31 = tpu.memref_squeeze %dma_wait3A_30 : memref<1x16x1024xf32, #tpu.memory_space<vmem>> -> memref<16x1024xf32, #tpu.memory_space<vmem>>
    %dma_wait3A_32 = arith.constant 0 : i32
    %dma_wait3A_33 = tpu.memref_slice %arg4[%dma_wait3A_27, %mul3A_2, %dma_wait3A_32] : memref<64x512x1024xf32, #tpu.memory_space<hbm>> -> memref<1x16x1024xf32, #tpu.memory_space<hbm>>
    %dma_wait3A_34 = tpu.memref_squeeze %dma_wait3A_33 : memref<1x16x1024xf32, #tpu.memory_space<hbm>> -> memref<16x1024xf32, #tpu.memory_space<hbm>>
    %dma_wait3A_35 = arith.constant 0 : i32
    %dma_wait3A_36 = tpu.memref_slice %arg4[%dma_wait3A_27, %mul3A_2, %dma_wait3A_35] : memref<64x512x1024xf32, #tpu.memory_space<hbm>> -> memref<1x16x1024xf32, #tpu.memory_space<hbm>>
    %dma_wait3A_37 = tpu.memref_squeeze %dma_wait3A_36 : memref<1x16x1024xf32, #tpu.memory_space<hbm>> -> memref<16x1024xf32, #tpu.memory_space<hbm>>
    %dma_wait3A_38 = arith.constant 0 : i32
    %dma_wait3A_39 = arith.constant 0 : i32
    %dma_wait3A_40 = tpu.memref_slice %arg7[%dma_wait3A, %dma_wait3A_38, %dma_wait3A_39] : memref<2x16x1024xf32, #tpu.memory_space<vmem>> -> memref<1x16x1024xf32, #tpu.memory_space<vmem>>
    %dma_wait3A_41 = tpu.memref_squeeze %dma_wait3A_40 : memref<1x16x1024xf32, #tpu.memory_space<vmem>> -> memref<16x1024xf32, #tpu.memory_space<vmem>>
    tpu.wait_dma2 semaphore(%arg11 : memref<!tpu.dma_semaphore, #tpu.memory_space<semaphore_mem>>) src(%dma_wait3A_41 : memref<16x1024xf32, #tpu.memory_space<vmem>>) dst(%dma_wait3A_37 : memref<16x1024xf32, #tpu.memory_space<hbm>>)
    return
  }
}

module attributes {stable_mosaic.version = 14 : i64} {
  func.func @_tc_ln_body(%arg0: i32, %arg1: memref<256x1024xf32, #tpu.memory_space<vmem>>, %arg2: memref<256x1024xf32, #tpu.memory_space<vmem>>, %arg3: memref<256x1xf32, #tpu.memory_space<vmem>>, %arg4: memref<2x1024xf32, #tpu.memory_space<vmem>>, %arg5: memref<1x1024xf32, #tpu.memory_space<vmem>>, %arg6: memref<1x1024xf32, #tpu.memory_space<vmem>>, %arg7: memref<256x1024xf32, #tpu.memory_space<vmem>>) attributes {dimension_semantics = [#tpu.dimension_semantics<parallel>], iteration_bounds = array<i64: 128>, scalar_prefetch = 0 : i64, scratch_operands = 0 : i64, tpu.core_type = #tpu.core_type<tc>, window_params = [{transform_indices = @transform_0, window_bounds = array<i64: 256, 1024>}, {transform_indices = @transform_1, window_bounds = array<i64: 256, 1024>}, {transform_indices = @transform_2, window_bounds = array<i64: 256, 1>}, {pipeline_mode = #tpu.pipeline_mode<synchronous>, transform_indices = @transform_3, window_bounds = array<i64: 2, 1024>}, {pipeline_mode = #tpu.pipeline_mode<synchronous>, transform_indices = @transform_4, window_bounds = array<i64: 1, 1024>}, {pipeline_mode = #tpu.pipeline_mode<synchronous>, transform_indices = @transform_5, window_bounds = array<i64: 1, 1024>}, {transform_indices = @transform_6, window_bounds = array<i64: 256, 1024>}]} {
    %get3A = arith.constant 0 : index
    %get3A_0 = arith.constant 0 : index
    %get3A_1 = vector.load %arg1[%get3A, %get3A_0] : memref<256x1024xf32, #tpu.memory_space<vmem>>, vector<256x1024xf32>
    %get3A_2 = arith.constant 0 : index
    %get3A_3 = arith.constant 0 : index
    %get3A_4 = vector.load %arg2[%get3A_2, %get3A_3] : memref<256x1024xf32, #tpu.memory_space<vmem>>, vector<256x1024xf32>
    %add3A = arith.addf %get3A_1, %get3A_4 : vector<256x1024xf32>
    %get3A_5 = arith.constant 0 : index
    %get3A_6 = arith.constant 0 : index
    %get3A_7 = vector.load %arg4[%get3A_5, %get3A_6] : memref<2x1024xf32, #tpu.memory_space<vmem>>, vector<1x1024xf32>
    %get3A_8 = arith.constant 1 : index
    %get3A_9 = arith.constant 0 : index
    %get3A_10 = vector.load %arg4[%get3A_8, %get3A_9] : memref<2x1024xf32, #tpu.memory_space<vmem>>, vector<1x1024xf32>
    %sub3A = arith.subf %get3A_10, %get3A_7 : vector<1x1024xf32>
    %add3A_11 = vector.broadcast %get3A_7 : vector<1x1024xf32> to vector<256x1024xf32>
    %add3A_12 = arith.addf %add3A, %add3A_11 : vector<256x1024xf32>
    %get3A_13 = arith.constant 0 : index
    %get3A_14 = arith.constant 0 : index
    %get3A_15 = vector.load %arg3[%get3A_13, %get3A_14] : memref<256x1xf32, #tpu.memory_space<vmem>>, vector<256x1xf32>
    %mul3A = vector.broadcast %get3A_15 : vector<256x1xf32> to vector<256x1024xf32>
    %mul3A_16 = vector.broadcast %sub3A : vector<1x1024xf32> to vector<256x1024xf32>
    %mul3A_17 = arith.mulf %mul3A, %mul3A_16 : vector<256x1024xf32>
    %add3A_18 = arith.addf %add3A_12, %mul3A_17 : vector<256x1024xf32>
    %reduce_sum3A = arith.constant dense<0.000000e+00> : vector<256xf32>
    %reduce_sum3A_19 = vector.multi_reduction <add>, %add3A_18, %reduce_sum3A [1] : vector<256x1024xf32> to vector<256xf32>
    %broadcast_in_dim3A = vector.shape_cast %reduce_sum3A_19 : vector<256xf32> to vector<256x1xf32>
    %div3A = arith.constant 1.024000e+03 : f32
    %div3A_20 = vector.broadcast %div3A : f32 to vector<256x1xf32>
    %div3A_21 = arith.divf %broadcast_in_dim3A, %div3A_20 : vector<256x1xf32>
    %sub3A_22 = vector.broadcast %div3A_21 : vector<256x1xf32> to vector<256x1024xf32>
    %sub3A_23 = arith.subf %add3A_18, %sub3A_22 : vector<256x1024xf32>
    %mul3A_24 = arith.mulf %sub3A_23, %sub3A_23 : vector<256x1024xf32>
    %reduce_sum3A_25 = arith.constant dense<0.000000e+00> : vector<256xf32>
    %reduce_sum3A_26 = vector.multi_reduction <add>, %mul3A_24, %reduce_sum3A_25 [1] : vector<256x1024xf32> to vector<256xf32>
    %broadcast_in_dim3A_27 = vector.shape_cast %reduce_sum3A_26 : vector<256xf32> to vector<256x1xf32>
    %div3A_28 = arith.constant 1.024000e+03 : f32
    %div3A_29 = vector.broadcast %div3A_28 : f32 to vector<256x1xf32>
    %div3A_30 = arith.divf %broadcast_in_dim3A_27, %div3A_29 : vector<256x1xf32>
    %add3A_31 = arith.constant 9.99999996E-13 : f32
    %add3A_32 = vector.broadcast %add3A_31 : f32 to vector<256x1xf32>
    %add3A_33 = arith.addf %div3A_30, %add3A_32 : vector<256x1xf32>
    %rsqrt3A = math.rsqrt %add3A_33 : vector<256x1xf32>
    %mul3A_34 = vector.broadcast %rsqrt3A : vector<256x1xf32> to vector<256x1024xf32>
    %mul3A_35 = arith.mulf %sub3A_23, %mul3A_34 : vector<256x1024xf32>
    %get3A_36 = arith.constant 0 : index
    %get3A_37 = arith.constant 0 : index
    %get3A_38 = vector.load %arg5[%get3A_36, %get3A_37] : memref<1x1024xf32, #tpu.memory_space<vmem>>, vector<1x1024xf32>
    %mul3A_39 = vector.broadcast %get3A_38 : vector<1x1024xf32> to vector<256x1024xf32>
    %mul3A_40 = arith.mulf %mul3A_35, %mul3A_39 : vector<256x1024xf32>
    %get3A_41 = arith.constant 0 : index
    %get3A_42 = arith.constant 0 : index
    %get3A_43 = vector.load %arg6[%get3A_41, %get3A_42] : memref<1x1024xf32, #tpu.memory_space<vmem>>, vector<1x1024xf32>
    %add3A_44 = vector.broadcast %get3A_43 : vector<1x1024xf32> to vector<256x1024xf32>
    %add3A_45 = arith.addf %mul3A_40, %add3A_44 : vector<256x1024xf32>
    %swap3A = arith.constant 0 : index
    %swap3A_46 = arith.constant 0 : index
    %swap3A_47 = vector.load %arg7[%swap3A, %swap3A_46] : memref<256x1024xf32, #tpu.memory_space<vmem>>, vector<256x1024xf32>
    tpu.vector_store %arg7[%swap3A, %swap3A_46], %add3A_45 {strides = array<i32>} : memref<256x1024xf32, #tpu.memory_space<vmem>>, vector<256x1024xf32>,
    return
  }
  func.func @transform_0(%arg0: i32) -> (i32, i32) {
    %c0_i32 = arith.constant 0 : i32
    %c0_i32_0 = arith.constant 0 : i32
    return %arg0, %c0_i32 : i32, i32
  }
  func.func @transform_1(%arg0: i32) -> (i32, i32) {
    %jit3A = arith.constant 2 : i32
    %eq3A = arith.constant 0 : i32
    %eq3A_0 = arith.cmpi eq, %jit3A, %eq3A : i32
    %jit3A_1 = arith.constant 1 : i32
    %select_n3A = arith.select %eq3A_0, %jit3A_1, %jit3A : i32
    %rem3A = arith.remsi %arg0, %select_n3A : i32
    %ne3A = arith.constant 0 : i32
    %ne3A_2 = arith.cmpi ne, %rem3A, %ne3A : i32
    %lt3A = arith.constant 0 : i32
    %lt3A_3 = arith.cmpi slt, %rem3A, %lt3A : i32
    %lt3A_4 = arith.constant 0 : i32
    %lt3A_5 = arith.cmpi slt, %select_n3A, %lt3A_4 : i32
    %ne3A_6 = arith.xori %lt3A_3, %lt3A_5 : i1
    %and3A = arith.andi %ne3A_6, %ne3A_2 : i1
    %add3A = arith.addi %rem3A, %select_n3A : i32
    %select_n3A_7 = arith.select %and3A, %add3A, %rem3A : i32
    %c0_i32 = arith.constant 0 : i32
    %c0_i32_8 = arith.constant 0 : i32
    return %select_n3A_7, %c0_i32 : i32, i32
  }
  func.func @transform_2(%arg0: i32) -> (i32, i32) {
    %c0_i32 = arith.constant 0 : i32
    %c0_i32_0 = arith.constant 0 : i32
    return %arg0, %c0_i32 : i32, i32
  }
  func.func @transform_3(%arg0: i32) -> (i32, i32) {
    %c0_i32 = arith.constant 0 : i32
    %c0_i32_0 = arith.constant 0 : i32
    %c0_i32_1 = arith.constant 0 : i32
    return %c0_i32, %c0_i32_0 : i32, i32
  }
  func.func @transform_4(%arg0: i32) -> (i32, i32) {
    %c0_i32 = arith.constant 0 : i32
    %c0_i32_0 = arith.constant 0 : i32
    %c0_i32_1 = arith.constant 0 : i32
    return %c0_i32, %c0_i32_0 : i32, i32
  }
  func.func @transform_5(%arg0: i32) -> (i32, i32) {
    %c0_i32 = arith.constant 0 : i32
    %c0_i32_0 = arith.constant 0 : i32
    %c0_i32_1 = arith.constant 0 : i32
    return %c0_i32, %c0_i32_0 : i32, i32
  }
  func.func @transform_6(%arg0: i32) -> (i32, i32) {
    %c0_i32 = arith.constant 0 : i32
    %c0_i32_0 = arith.constant 0 : i32
    return %arg0, %c0_i32 : i32, i32
  }
}

</mosaic_0001>

<sc_bundles>
// kernel: kernel.4.cloned.1.call-start
scs
__scs_entry_jumppad:
0x0: {  	(pc) =	sbr.rel $0x88, $3  }
0x1: {  	(tag) =	ssettag $0x0;
	lr =	simm.s32 $0x1  }
0x2: {  	[smem:$0x3F9A] =	sst lr;
	_ =	strace $0xD0000000  }
0x3: {  	_ = 	snop  }
0x4: {  	_ = 	snop  }
0x5: {  	_ = 	snop  }
0x6: {  	_ = 	snop  }
0x7: {  	_ = 	snop  }
__scs_overlays_trampoline_lowered:
0x8: {  	[smem:$0x3FA9] =	sst s0  }
0x9: {  	[smem:$0x3FAA] =	sst s1  }
0xa: {  	[smem:$0x3FAB] =	sst s2  }
0xb: {  	[smem:$0x3FAC] =	sst s3  }
0xc: {  	[smem:$0x3FAD] =	sst s4  }
0xd: {  	[smem:$0x3FAE] =	sst s5  }
0xe: {  	[smem:$0x3FAF] =	sst s6  }
0xf: {  	[smem:$0x3FB0] =	sst s7  }
0x10: {  	[smem:$0x3FB1] =	sst s8  }
0x11: {  	[smem:$0x3FB2] =	sst s9;
	s0 =	simm.s32 @!p0 $0x0  }
0x12: {  	s1 =	sld [smem:$0x3F98];
	s0 =	simm.s32 @p0 $0x1  }
0x13: {  	[smem:$0x3FB3] =	sst s0;
	s0 =	simm.s32 @!p1 $0x0  }
0x14: {  	s2 =	sld [smem:$0x3F97];
	s0 =	simm.s32 @p1 $0x1  }
0x15: {  	[smem:$0x3FB4] =	sst s0;
	s0 =	simm.s32 @!p2 $0x0  }
0x16: {  	s3 =	sld [smem:$0x3FDB];
	s0 =	simm.s32 @p2 $0x1  }
0x17: {  	s4 =	simm.s32 $0x1BF5;
	[smem:$0x3FB6] =	sst s0  }
0x18: {  	s0 =	sld [smem:$0x3F99];
	_ =	swait.ge [sflag:s4], $0x0  }
0x19: {  	s7 =	sld [smem:$0x3F9A]  }
0x1a: {  	s8 =	sadd.s32 $0xFFFFE003, lr  }
0x1b: {  	s9 =	sadd.s32 $0xFFFFFEF7, lr;
	s5 =	simm.s32 $0xFFFFFFFF;
	p2 =	slt.u32 s8, $0xFFFFF086  }
0x1c: {  	p1 =	slt.u32 s9, $0xF7A;
	s5 =	simm.s32 @!p2 $0x0  }
0x1d: {  	s5 =	simm.s32 @p1 $0x1;
	p0 =	seq.s32 s7, s2  }
0x1e: {  	s7 =	smul.u32 @!p0 $0xF7A, s2;
	p2 =	seq.s32 @!p0 s5, $0x0  }
0x1f: {  	s9 =	smul.u32 $0xF7A, s1;
	s8 =	simm.s32 @!p0 $0x1BF5;
	p2 =	por !p2, p0  }
0x20: {  	[sflag:s8] =	ssyncset.s32 @!p0 $0xFFFFF086;
	s6 =	sadd.s32 @!p0 s3, s7;
	s7 =	simm.s32 @!p0 $0x108  }
0x21: {  	s3 =	sadd.s32 s3, s9;
	s6 =	sadd.s32 @!p0 $0x88, s6;
	s7 =	simm.s32 @p2 $0x1082  }
0x22: {  	[simem:s7], [sflag:s8] =	dma.local @!p0 [hbm:s6], $0xF7A  }
0x23: {  	s9 =	sor.u32 $0xD0000000, s2;
	s6 =	simm.s32 $0x108;
	_ =	swait.ge @!p0 [sflag:s8], $0x0  }
0x24: {  	s3 =	sadd.s32 $0x88, s3;
	s6 =	simm.s32 @!p1 $0x1082;
	[sflag:s4] =	ssyncset.s32 $0xFFFFF086  }
0x25: {  	[simem:s6], [sflag:s4] =	dma.local [hbm:s3], $0xF7A  }
0x26: {  	[smem:$0x3F9A] =	sst s1;
	(tag) =	ssettag s2;
	_ =	strace s9  }
0x27: {  	s1 =	sld [smem:$0x3FAA]  }
0x28: {  	s2 =	sld [smem:$0x3FAB]  }
0x29: {  	s4 =	sld [smem:$0x3FAD]  }
0x2a: {  	p0 =	seq.s32 s5, $0x0;
	s5 =	sld [smem:$0x3FAE]  }
0x2b: {  	s6 =	sld [smem:$0x3FAF]  }
0x2c: {  	s7 =	sld [smem:$0x3FB0]  }
0x2d: {  	s3 =	simm.s32 $0x108;
	s8 =	sld [smem:$0x3FB1]  }
0x2e: {  	s3 =	simm.s32 @!p0 $0x1082;
	s9 =	sld [smem:$0x3FB2]  }
0x2f: {  	lr =	sadd.s32 s0, s3;
	s0 =	sld [smem:$0x3FA9]  }
0x30: {  	s3 =	sld [smem:$0x3FAC]  }
0x31: {  	[smem:$0x3FB5] =	sst s10  }
0x32: {  	s10 =	sld [smem:$0x3FB3];
	_ =	sdelay $0x3  }
0x33: {  	p0 =	seq.s32 s10, $0x1;
	s10 =	sld [smem:$0x3FB5];
	_ =	sdelay $0x3  }
0x34: {  	[smem:$0x3FB5] =	sst s10  }
0x35: {  	s10 =	sld [smem:$0x3FB4];
	_ =	sdelay $0x3  }
0x36: {  	p1 =	seq.s32 s10, $0x1;
	s10 =	sld [smem:$0x3FB5];
	_ =	sdelay $0x3  }
0x37: {  	[smem:$0x3FB5] =	sst s10  }
0x38: {  	s10 =	sld [smem:$0x3FB6]  }
0x39: {  	_ = 	snop;
	(pc) =	sbr.ind lr, $3  }
0x3a: {  	_ = 	snop  }
0x3b: {  	_ = 	snop  }
0x3c: {  	p2 =	seq.s32 s10, $0x1;
	s10 =	sld [smem:$0x3FB5]  }
0x3d: {  	_ =	shalt  }
0x3e: {  	_ =	shalt  }
0x3f: {  	_ =	shalt  }
0x40: {  	_ =	shalt  }
0x41: {  	_ =	shalt  }
0x42: {  	_ =	shalt  }
0x43: {  	_ =	shalt  }
0x44: {  	_ =	shalt  }
0x45: {  	_ =	shalt  }
0x46: {  	_ =	shalt  }
0x47: {  	_ =	shalt  }
0x48: {  	_ =	shalt  }
0x49: {  	_ =	shalt  }
0x4a: {  	_ =	shalt  }
0x4b: {  	_ =	shalt  }
0x4c: {  	_ =	shalt  }
0x4d: {  	_ =	shalt  }
0x4e: {  	_ =	shalt  }
0x4f: {  	_ =	shalt  }
0x50: {  	_ =	shalt  }
0x51: {  	_ =	shalt  }
0x52: {  	_ =	shalt  }
0x53: {  	_ =	shalt  }
0x54: {  	_ =	shalt  }
0x55: {  	_ =	shalt  }
0x56: {  	_ =	shalt  }
0x57: {  	_ =	shalt  }
0x58: {  	_ =	shalt  }
0x59: {  	_ =	shalt  }
0x5a: {  	_ =	shalt  }
0x5b: {  	_ =	shalt  }
0x5c: {  	_ =	shalt  }
0x5d: {  	_ =	shalt  }
0x5e: {  	_ =	shalt  }
0x5f: {  	_ =	shalt  }
0x60: {  	_ =	shalt  }
0x61: {  	_ =	shalt  }
0x62: {  	_ =	shalt  }
0x63: {  	_ =	shalt  }
0x64: {  	_ =	shalt  }
0x65: {  	_ =	shalt  }
0x66: {  	_ =	shalt  }
0x67: {  	_ =	shalt  }
0x68: {  	_ =	shalt  }
0x69: {  	_ =	shalt  }
0x6a: {  	_ =	shalt  }
0x6b: {  	_ =	shalt  }
0x6c: {  	_ =	shalt  }
0x6d: {  	_ =	shalt  }
0x6e: {  	_ =	shalt  }
0x6f: {  	_ =	shalt  }
0x70: {  	_ =	shalt  }
0x71: {  	_ =	shalt  }
0x72: {  	_ =	shalt  }
0x73: {  	_ =	shalt  }
0x74: {  	_ =	shalt  }
0x75: {  	_ =	shalt  }
0x76: {  	_ =	shalt  }
0x77: {  	_ =	shalt  }
0x78: {  	_ =	shalt  }
0x79: {  	_ =	shalt  }
0x7a: {  	_ =	shalt  }
0x7b: {  	_ =	shalt  }
0x7c: {  	_ =	shalt  }
0x7d: {  	_ =	shalt  }
0x7e: {  	_ =	shalt  }
0x7f: {  	_ =	shalt  }
0x80: {  	_ =	shalt  }
0x81: {  	_ =	shalt  }
0x82: {  	_ =	shalt  }
0x83: {  	_ =	shalt  }
0x84: {  	_ =	shalt  }
0x85: {  	_ =	shalt  }
0x86: {  	_ =	shalt  }
0x87: {  	_ =	shalt  }
.Lfunc_end0:
.L_simem_size_0:
called_computation_lowered:
.L_overlay_start_0:
0x88: {  	s2 =	sld [smem:$0x3FD9]  }
0x89: {  	s3 =	sld [smem:$0x3FFE];
	_ =	sdelay $0x1  }
0x8a: {  	s1 =	srdreg.scid  }
0x8b: {  	s0 =	sand.u32 $0x1, s1  }
0x8c: {  	s17 =	sshll.u32 s0, $0xA;
	s2 =	sadd.s32 s3, s2  }
0x8d: {  	s2 =	sadd.s32 s2, s17  }
0x8e: {  	[smem:$0x3FC1] =	sst s2  }
0x8f: {  	_ = 	snop  }
0x90: {  	s2 =	sld [smem:$0x3FC7]  }
0x91: {  	s18 =	sld [smem:$0x3FD0];
	(tm) =	ssettm $0x1  }
0x92: {  	s4 =	sld [smem:$0x3FFB];
	_ =	sdelay $0x3  }
0x93: {  	_ =	strace s4  }
0x94: {  	s4 =	sld [smem:$0x3FFC];
	_ =	sdelay $0x3  }
0x95: {  	_ =	strace s4  }
0x96: {  	s4 =	sld [smem:$0x3FFD];
	_ =	sdelay $0x3  }
0x97: {  	_ =	strace s4  }
0x98: {  	_ =	strace $0x8FFFFFFF  }
0x99: {  	s19 =	sld [smem:$0x3FDB];
	_ =	sdelay $0x1  }
0x9a: {  	s5 =	simm.s32 $_scs_section_size  }
0x9b: {  	s6 =	simm.s32 $_size__tile_overlayer_lowered;
	s7 =	simm.s32 $_tile_overlayer_lowered  }
0x9c: {  	s22 =	simm.s32 $0x1BFF;
	s21 =	sshll.u32 s7, $0x1;
	s4 =	sadd.s32 s5, s19  }
0x9d: {  	s8 =	simm.s32 $0x0;
	s20 =	sshll.u32 s6, $0x1;
	s6 =	sadd.s32 s21, s4  }
0x9e: {  	[timem:s8], [sflag:s22] =	dma.local [hbm:s6], s20  }
0x9f: {  	_ =	swait.ge [sflag:s22], s20  }
0xa0: {  	s5 =	ssub.s32 $0x0, s20;
	[sflag:s22] =	ssyncset.done $0x0  }
0xa1: {  	[sflag:s22] =	ssyncadd.s32 s5;
	_ =	sdelay $0x1  }
0xa2: {  	s23 =	simm.s32 $0x1B8B  }
0xa3: {  	_ =	swait.ge [sflag:s23], $0x1  }
0xa4: {  	[sflag:s23] =	ssyncset.done $0x0  }
0xa5: {  	s25 =	simm.s32 $0x1B8E;
	s24 =	sld [smem:$0x3FFE];
	[sflag:s23] =	ssyncadd.s32 $0xFFFFFFFF  }
0xa6: {  	s26 =	simm.s32 $execute0_lowered;
	[smem:$0x3FD2] =	sst s25  }
0xa7: {  	s6 =	sshll.u32 s26, $0x1;
	_ =	strace $0x80000046;
	[dreg:$0x1] =	wrdreg $0xFFFFFFFF  }
0xa8: {  	s28 =	simm.s32 $_size_execute0_lowered;
	s4 =	sadd.s32 s4, s6;
	[dreg:$0x0] =	wrdreg $0x0  }
0xa9: {  	s6 =	sshll.u32 s28, $0x1;
	[dreg:$0x2] =	wrdreg s4  }
0xaa: {  	[dreg:$0x3] =	wrdreg s6  }
0xab: {  	[dreg:$0x4] =	wrdreg $0xC0  }
0xac: {  	_ =	task [dreg:s8], $0x5FFFF  }
0xad: {  	[dreg:$0x1] =	wrdreg $0xFFFFFFFF  }
0xae: {  	[dreg:$0x0] =	wrdreg $0x60  }
0xaf: {  	[dreg:$0x2] =	wrdreg s18  }
0xb0: {  	[dreg:$0x3] =	wrdreg s2  }
0xb1: {  	[dreg:$0x4] =	wrdreg s24  }
0xb2: {  	[dreg:$0x5] =	wrdreg $0x9  }
0xb3: {  	_ =	task.clear_ibuf [dreg:s8], $0x6FFFF;
	_ =	strace $0x90000046  }
0xb4: {  	s29 =	simm.s32 $0x9;
	_ =	strace $0x80000048  }
0xb5: {  	_ =	swait.ge [sflag:s29], $0x1  }
0xb6: {  	[sflag:s29] =	ssyncadd.s32 $0xFFFFFFFF  }
0xb7: {  	_ =	strace $0x90000048  }
0xb8: {  	_ =	sfence  }
0xb9: {  	s30 =	sld [smem:$0x0];
	_ =	sdelay $0x2  }
0xba: {  	s31 =	sshll.u32 s1, $0xD;
	s1 =	sshrl.u32 s1, $0x2  }
0xbb: {  	s3 =	sand.u32 $0x4000, s31;
	s1 =	sadd.s32 s1, s30  }
0xbc: {  	s0 =	sor.u32 s3, s0;
	s1 =	sshll.u32 s1, $0x11  }
0xbd: {  	s0 =	sor.u32 s1, s0  }
0xbe: {  	s0 =	sadd.s32 $0x8F2B, s0  }
0xbf: {  	[sflag:s0] =	ssyncadd.remote.s32 $0x1  }
0xc0: {  	_ =	sfence.sel $0xFFFF  }
0xc1: {  	[dreg:$0x0] =	wrdreg $0xFFFFFFFF;
	(pc) =	sbr.abs _section_cstart, $3  }
0xc2: {  	[dreg:$0x1] =	wrdreg $0xFFFFFFFF  }
0xc3: {  	_ =	task.clear_ibuf [dreg:s8], $0x2FFFF;
	_ =	strace $0x9FFFFFFF  }
0xc4: {  	(tm) =	ssettm $0x7FFFFFFF  }
0xc5: {  	_ =	shalt  }
tec
execute0_lowered:
.L_overlay_start_1:
0x0: {  	(tag) =	ssettag $0x1  }
0x1: {  	s0 =	rddreg [dreg:$0x0]  }
0x2: {  	s2 =	rddreg [dreg:$0x1]  }
0x3: {  	s1 =	rddreg [dreg:$0x2]  }
0x4: {  	s3 =	srdreg.scid;
	s10 =	stileid.u32;
	s16 =	simm.s32 $0x2800  }
0x5: {  	s17 =	simm.s32 $0x3000;
	s18 =	simm.s32 $0x3800;
	s28 =	simm.s32 $0x8000  }
0x6: {  	s29 =	simm.s32 $0x8800;
	s30 =	simm.s32 $0x9000;
	s31 =	simm.s32 $0x9800  }
0x7: {  	s11 =	simm.s32 $0x4;
	s12 =	simm.s32 $0x0;
	s5 =	sand.u32 $0x1, s3  }
0x8: {  	s3 =	simm.s32 $0x0;
	s4 =	sshll.u32 s10, $0x5;
	s21 =	sshll.u32 s10, $0xF  }
0x9: {  	s10 =	simm.s32 $0x2;
	s6 =	sshll.u32 s5, $0x4;
	[smem:$0x7FF] =	sst s3  }
0xa: {  	s7 =	ssub.s32 $0x2, s5;
	s5 =	sshll.u32 s5, $0xE;
	s8 =	sor.u32 s6, s4  }
0xb: {  	_ =	strace $0x80000047;
	s19 =	sshrl.u32 s7, $0x1;
	s4 =	sadd.s32 $0xE00, s1  }
0xc: {  	s6 =	sadd.s32 $0x100, s2;
	s9 =	sshll.u32 s8, $0x4;
	s20 =	ssub.s32 s7, s19  }
0xd: {  	s7 =	sadd.s32 $0x200, s2;
	s22 =	sshll.u32 s8, $0x7;
	s0 =	sadd.s32 s0, s9  }
0xe: {  	s8 =	sadd.s32 $0x300, s2;
	s1 =	smax.u32 s20, $0x1;
	[dreg:$0x5] =	wrdreg s0  }
0xf: {  	s19 =	simm.s32 $0x4000;
	s9 =	sadd.s32 s4, s22;
	[dreg:$0x7] =	wrdreg s1  }
0x10: {  	s20 =	simm.s32 $0x4800;
	s23 =	sadd.s32 $0x10000, s9;
	[dreg:$0x6] =	wrdreg s9  }
0x11: {  	s22 =	simm.s32 $0x5800;
	s25 =	sadd.s32 $0x3E0000, s9;
	[dreg:$0x8] =	wrdreg s23  }
0x12: {  	s0 =	sor.u32 s5, s21;
	s26 =	sadd.s32 $0x3F0000, s9;
	[dreg:$0x9] =	wrdreg s25  }
0x13: {  	s21 =	simm.s32 $0x5000;
	s5 =	sor.u32 $0x180000, s0;
	[dreg:$0xa] =	wrdreg s26  }
0x14: {  	s0 =	sor.u32 $0x100000, s0;
	s23 =	simm.s32 $0x6000;
	s25 =	simm.s32 $0x7000  }
0x15: {  	v3 =	vlaneseq.u32;
	s26 =	simm.s32 $0x7800;
	s24 =	sshrl.u32 s5, $0x3;
	[dreg:$0xb] =	wrdreg s0  }
0x16: {  	vm0 =	vmmov $0xffff;
	v0 =	vmul.u32 $0x80, v3;
	v2 =	vshrl.u32 v3, $0x3;
	s0 =	simm.s32 $0xA000;
	s5 =	simm.s32 $0x3;
	s1 =	sadd.s32 s24, s4  }
0x17: {  	v1 =	vand.u32 $0x7, v3;
	v3 =	vor.u32 $0x8, v3;
	v2 =	vmul.u32 $0x8, v2;
	s24 =	simm.s32 $0x6800;
	[dreg:$0x4] =	wrdreg s1;
	s1 =	simm.s32 $0x1  }
.LBB2_1:
0x18: {  	v4 =	vmov s3  }
0x19: {  	v4 =	vand.u32 $0x7F, v4  }
0x1a: {  	v4 =	vbroadcast v4, $0x0;
	_ =	sdelay $0x1  }
0x1b: {  	s9 =	simm.s32 $0x1;
	s13 =	rddreg [dreg:$0x5];
	s14 =	simm.s32 $0x5;
	v4 =	vor.u32 v0, v4  }
0x1c: {  	[tilespmem:s3], [sflag:$0x5] =	stream.linear.gather [hbm4b:s13+s3], $0x800, $0x38;
	[tilespmem:$0xA800] =	vst v63  }
0x1d: {  	v5 =	vmov s9;
	_ =	swait.ge [sflag:s14], $0x800  }
0x1e: {  	v5 =	vand.u32 $0x7F, v5;
	[sflag:s14] =	ssyncset.done $0x0  }
0x1f: {  	v6 =	vbroadcast v5, $0x0;
	[sflag:s14] =	ssyncadd.s32 $0xFFFFF800  }
0x20: {  	v5 =	vld.idx.msk [tilespmem:v4+s3+$0x0], $0xffff  }
0x21: {  	v4 =	vor.u32 v0, v6;
	_ =	sdelay $0x1  }
0x22: {  	s15 =	simm.s32 $0x2  }
0x23: {  	s9 =	simm.s32 $0x800;
	s13 =	simm.s32 $0x3;
	v6 =	vmov s15  }
.LBB2_2:
0x24: {  	p0 =	sne.s32 s13, $0x3F;
	v6 =	vand.u32 $0x7F, v6;
	[tilespmem:s9+$0x0] =	vst v5  }
0x25: {  	v6 =	vbroadcast v6, $0x0;
	v5 =	vld.idx.msk [tilespmem:v4+s3+$0x0], $0xffff  }
.Ltmp0:
0x26: {  	(pc) =	sbr.rel @p0 .LBB2_2-.Ltmp0, $2  }
0x27: {  	v4 =	vor.u32 v0, v6;
	_ =	sdelay $0x2  }
0x28: {  	s9 =	sadd.s32 $0x80, s9;
	v6 =	vmov s13;
	s13 =	sadd.s32 $0x1, s13  }
0x29: {  	_ =	sdelay $0x1  }
0x2a: {  	v6 =	vand.u32 $0x7F, v6  }
0x2b: {  	[tilespmem:s9+$0x0] =	vst v5;
	v5 =	vbroadcast v6, $0x0  }
0x2c: {  	v4 =	vld.idx.msk [tilespmem:v4+s3+$0x0], $0xffff  }
0x2d: {  	v5 =	vor.u32 v0, v5;
	_ =	sdelay $0x2  }
0x2e: {  	s13 =	sadd.s32 $0x80, s9  }
0x2f: {  	[tilespmem:s13+$0x0] =	vst v4  }
0x30: {  	v4 =	vld.idx.msk [tilespmem:v5+s3+$0x0], $0xffff;
	_ =	sdelay $0x3  }
0x31: {  	s9 =	sadd.s32 $0x80, s13  }
0x32: {  	[tilespmem:s9+$0x0] =	vst v4  }
0x33: {  	v4 =	vld [tilespmem:$0x800];
	_ =	sdelay $0x4  }
0x34: {  	v5 =	vshll.u32 v4, $0x3  }
0x35: {  	v4 =	vand.u32 $0x7, v4;
	v5 =	vand.u32 $0xFFFFFFC0, v5  }
0x36: {  	v4 =	vor.u32 v4, v5  }
0x37: {  	v5 =	vperm.xlane v4, v1;
	_ =	sdelay $0x1  }
0x38: {  	v5 =	vadd.s32 v2, v5;
	_ =	sdelay $0x3  }
0x39: {  	s13 =	simm.s32 $0x0  }
0x3a: {  	[tilespmem:s16], [sflag:$0x1] =	stream.indirect_vreg.gather [hbm4b:s2+s13], $0x80, v5, vm0, $0xb8;
	[tilespmem:$0xA800] =	vst v63  }
0x3b: {  	v4 =	vperm.xlane v4, v3  }
0x3c: {  	[tilespmem:s17], [sflag:$0x1] =	stream.indirect_vreg.gather [hbm4b:s6+s13], $0x80, v5, vm0, $0xb8;
	[tilespmem:$0xA800] =	vst v63  }
0x3d: {  	v4 =	vadd.s32 v2, v4  }
0x3e: {  	[tilespmem:s18], [sflag:$0x1] =	stream.indirect_vreg.gather [hbm4b:s7+s13], $0x80, v5, vm0, $0xb8;
	[tilespmem:$0xA800] =	vst v63  }
0x3f: {  	_ = 	snop  }
0x40: {  	[tilespmem:s19], [sflag:$0x1] =	stream.indirect_vreg.gather [hbm4b:s8+s13], $0x80, v5, vm0, $0xb8;
	[tilespmem:$0xA800] =	vst v63  }
0x41: {  	_ = 	snop  }
0x42: {  	[tilespmem:s20], [sflag:$0x1] =	stream.indirect_vreg.gather [hbm4b:s2+s13], $0x80, v4, vm0, $0xb8;
	[tilespmem:$0xA800] =	vst v63  }
0x43: {  	_ = 	snop  }
0x44: {  	[tilespmem:s21], [sflag:$0x1] =	stream.indirect_vreg.gather [hbm4b:s6+s13], $0x80, v4, vm0, $0xb8;
	[tilespmem:$0xA800] =	vst v63  }
0x45: {  	_ = 	snop  }
0x46: {  	[tilespmem:s22], [sflag:$0x1] =	stream.indirect_vreg.gather [hbm4b:s7+s13], $0x80, v4, vm0, $0xb8;
	[tilespmem:$0xA800] =	vst v63  }
0x47: {  	_ = 	snop  }
0x48: {  	[tilespmem:s23], [sflag:$0x1] =	stream.indirect_vreg.gather [hbm4b:s8+s13], $0x80, v4, vm0, $0xb8;
	[tilespmem:$0xA800] =	vst v63  }
0x49: {  	v4 =	vld [tilespmem:$0x880];
	_ =	sdelay $0x4  }
0x4a: {  	v5 =	vshll.u32 v4, $0x3  }
0x4b: {  	v4 =	vand.u32 $0x7, v4;
	v5 =	vand.u32 $0xFFFFFFC0, v5  }
0x4c: {  	v4 =	vor.u32 v4, v5  }
0x4d: {  	v5 =	vperm.xlane v4, v1;
	_ =	sdelay $0x1  }
0x4e: {  	v5 =	vadd.s32 v2, v5;
	_ =	sdelay $0x4  }
0x4f: {  	[tilespmem:s24], [sflag:$0x2] =	stream.indirect_vreg.gather [hbm4b:s2+s13], $0x80, v5, vm0, $0xb8;
	[tilespmem:$0xA800] =	vst v63  }
0x50: {  	v4 =	vperm.xlane v4, v3  }
0x51: {  	[tilespmem:s25], [sflag:$0x2] =	stream.indirect_vreg.gather [hbm4b:s6+s13], $0x80, v5, vm0, $0xb8;
	[tilespmem:$0xA800] =	vst v63  }
0x52: {  	v4 =	vadd.s32 v2, v4  }
0x53: {  	[tilespmem:s26], [sflag:$0x2] =	stream.indirect_vreg.gather [hbm4b:s7+s13], $0x80, v5, vm0, $0xb8;
	[tilespmem:$0xA800] =	vst v63  }
0x54: {  	_ = 	snop  }
0x55: {  	[tilespmem:s28], [sflag:$0x2] =	stream.indirect_vreg.gather [hbm4b:s8+s13], $0x80, v5, vm0, $0xb8;
	[tilespmem:$0xA800] =	vst v63  }
0x56: {  	_ = 	snop  }
0x57: {  	[tilespmem:s29], [sflag:$0x2] =	stream.indirect_vreg.gather [hbm4b:s2+s13], $0x80, v4, vm0, $0xb8;
	[tilespmem:$0xA800] =	vst v63  }
0x58: {  	_ = 	snop  }
0x59: {  	[tilespmem:s30], [sflag:$0x2] =	stream.indirect_vreg.gather [hbm4b:s6+s13], $0x80, v4, vm0, $0xb8;
	[tilespmem:$0xA800] =	vst v63  }
0x5a: {  	_ = 	snop  }
0x5b: {  	[tilespmem:s31], [sflag:$0x2] =	stream.indirect_vreg.gather [hbm4b:s7+s13], $0x80, v4, vm0, $0xb8;
	[tilespmem:$0xA800] =	vst v63  }
0x5c: {  	_ = 	snop  }
0x5d: {  	[tilespmem:s0], [sflag:$0x2] =	stream.indirect_vreg.gather [hbm4b:s8+s13], $0x80, v4, vm0, $0xb8;
	[tilespmem:$0xA800] =	vst v63  }
0x5e: {  	_ =	swait.ge [sflag:s1], $0x4000  }
0x5f: {  	[sflag:s1] =	ssyncset.done $0x0  }
0x60: {  	s14 =	rddreg [dreg:$0x6];
	[sflag:s1] =	ssyncadd.s32 $0xFFFFC000  }
0x61: {  	[hbm4b:s14+s13] =	stream.linear.scatter [tilespmem:s16], [sflag:$0x3], $0x4000, $0x38;
	[tilespmem:$0xA800] =	vst v63  }
0x62: {  	_ =	swait.ge [sflag:s5], $0x4000  }
0x63: {  	[sflag:s5] =	ssyncset.done $0x0  }
0x64: {  	[sflag:s5] =	ssyncadd.s32 $0xFFFFC000  }
0x65: {  	v4 =	vld [tilespmem:$0x900];
	_ =	sdelay $0x4  }
0x66: {  	v5 =	vshll.u32 v4, $0x3  }
0x67: {  	v4 =	vand.u32 $0x7, v4;
	v5 =	vand.u32 $0xFFFFFFC0, v5  }
0x68: {  	v4 =	vor.u32 v4, v5  }
0x69: {  	v5 =	vperm.xlane v4, v1;
	_ =	sdelay $0x1  }
0x6a: {  	v5 =	vadd.s32 v2, v5;
	_ =	sdelay $0x4  }
0x6b: {  	[tilespmem:s16], [sflag:$0x1] =	stream.indirect_vreg.gather [hbm4b:s2+s13], $0x80, v5, vm0, $0xb8;
	[tilespmem:$0xA800] =	vst v63  }
0x6c: {  	v4 =	vperm.xlane v4, v3  }
0x6d: {  	[tilespmem:s17], [sflag:$0x1] =	stream.indirect_vreg.gather [hbm4b:s6+s13], $0x80, v5, vm0, $0xb8;
	[tilespmem:$0xA800] =	vst v63  }
0x6e: {  	v4 =	vadd.s32 v2, v4  }
0x6f: {  	[tilespmem:s18], [sflag:$0x1] =	stream.indirect_vreg.gather [hbm4b:s7+s13], $0x80, v5, vm0, $0xb8;
	[tilespmem:$0xA800] =	vst v63  }
0x70: {  	_ = 	snop  }
0x71: {  	[tilespmem:s19], [sflag:$0x1] =	stream.indirect_vreg.gather [hbm4b:s8+s13], $0x80, v5, vm0, $0xb8;
	[tilespmem:$0xA800] =	vst v63  }
0x72: {  	_ = 	snop  }
0x73: {  	[tilespmem:s20], [sflag:$0x1] =	stream.indirect_vreg.gather [hbm4b:s2+s13], $0x80, v4, vm0, $0xb8;
	[tilespmem:$0xA800] =	vst v63  }
0x74: {  	_ = 	snop  }
0x75: {  	[tilespmem:s21], [sflag:$0x1] =	stream.indirect_vreg.gather [hbm4b:s6+s13], $0x80, v4, vm0, $0xb8;
	[tilespmem:$0xA800] =	vst v63  }
0x76: {  	_ = 	snop  }
0x77: {  	[tilespmem:s22], [sflag:$0x1] =	stream.indirect_vreg.gather [hbm4b:s7+s13], $0x80, v4, vm0, $0xb8;
	[tilespmem:$0xA800] =	vst v63  }
0x78: {  	_ = 	snop  }
0x79: {  	[tilespmem:s23], [sflag:$0x1] =	stream.indirect_vreg.gather [hbm4b:s8+s13], $0x80, v4, vm0, $0xb8;
	[tilespmem:$0xA800] =	vst v63  }
0x7a: {  	_ =	swait.ge [sflag:s10], $0x4000  }
0x7b: {  	[sflag:s10] =	ssyncset.done $0x0;
	s15 =	rddreg [dreg:$0x8]  }
0x7c: {  	s14 =	simm.s32 $0xA00;
	s9 =	rddreg [dreg:$0xb];
	[sflag:s10] =	ssyncadd.s32 $0xFFFFC000  }
0x7d: {  	[hbm4b:s15+s13] =	stream.linear.scatter [tilespmem:s24], [sflag:$0x4], $0x4000, $0x38;
	[tilespmem:$0xA800] =	vst v63  }
.LBB2_4:
0x7e: {  	_ =	swait.ge [sflag:s11], $0x4000  }
0x7f: {  	[sflag:s11] =	ssyncset.done $0x0  }
0x80: {  	[sflag:s11] =	ssyncadd.s32 $0xFFFFC000  }
0x81: {  	v4 =	vld [tilespmem:s14+$0xFFFFFF80];
	_ =	sdelay $0x4  }
0x82: {  	v5 =	vshll.u32 v4, $0x3  }
0x83: {  	v4 =	vand.u32 $0x7, v4;
	v5 =	vand.u32 $0xFFFFFFC0, v5  }
0x84: {  	v4 =	vor.u32 v4, v5  }
0x85: {  	v5 =	vperm.xlane v4, v1;
	_ =	sdelay $0x1  }
0x86: {  	v5 =	vadd.s32 v2, v5;
	_ =	sdelay $0x4  }
0x87: {  	[tilespmem:s24], [sflag:$0x2] =	stream.indirect_vreg.gather [hbm4b:s2+s3], $0x80, v5, vm0, $0xb8;
	[tilespmem:$0xA800] =	vst v63  }
0x88: {  	v4 =	vperm.xlane v4, v3  }
0x89: {  	[tilespmem:s25], [sflag:$0x2] =	stream.indirect_vreg.gather [hbm4b:s6+s3], $0x80, v5, vm0, $0xb8;
	[tilespmem:$0xA800] =	vst v63  }
0x8a: {  	v4 =	vadd.s32 v2, v4  }
0x8b: {  	[tilespmem:s26], [sflag:$0x2] =	stream.indirect_vreg.gather [hbm4b:s7+s3], $0x80, v5, vm0, $0xb8;
	[tilespmem:$0xA800] =	vst v63  }
0x8c: {  	_ = 	snop  }
0x8d: {  	[tilespmem:s28], [sflag:$0x2] =	stream.indirect_vreg.gather [hbm4b:s8+s3], $0x80, v5, vm0, $0xb8;
	[tilespmem:$0xA800] =	vst v63  }
0x8e: {  	_ = 	snop  }
0x8f: {  	[tilespmem:s29], [sflag:$0x2] =	stream.indirect_vreg.gather [hbm4b:s2+s3], $0x80, v4, vm0, $0xb8;
	[tilespmem:$0xA800] =	vst v63  }
0x90: {  	_ = 	snop  }
0x91: {  	[tilespmem:s30], [sflag:$0x2] =	stream.indirect_vreg.gather [hbm4b:s6+s3], $0x80, v4, vm0, $0xb8;
	[tilespmem:$0xA800] =	vst v63  }
0x92: {  	_ = 	snop  }
0x93: {  	[tilespmem:s31], [sflag:$0x2] =	stream.indirect_vreg.gather [hbm4b:s7+s3], $0x80, v4, vm0, $0xb8;
	[tilespmem:$0xA800] =	vst v63  }
0x94: {  	_ = 	snop  }
0x95: {  	[tilespmem:s0], [sflag:$0x2] =	stream.indirect_vreg.gather [hbm4b:s8+s3], $0x80, v4, vm0, $0xb8;
	[tilespmem:$0xA800] =	vst v63  }
0x96: {  	_ =	swait.ge [sflag:s1], $0x4000  }
0x97: {  	s15 =	sshrl.u32 s9, $0x3;
	[sflag:s1] =	ssyncset.done $0x0  }
0x98: {  	s15 =	sadd.s32 s4, s15;
	[sflag:s1] =	ssyncadd.s32 $0xFFFFC000  }
0x99: {  	[hbm4b:s15+s3] =	stream.linear.scatter [tilespmem:s16], [sflag:$0x3], $0x4000, $0x38;
	[tilespmem:$0xA800] =	vst v63  }
0x9a: {  	_ =	swait.ge [sflag:s5], $0x4000  }
0x9b: {  	[sflag:s5] =	ssyncset.done $0x0  }
0x9c: {  	[sflag:s5] =	ssyncadd.s32 $0xFFFFC000  }
0x9d: {  	v4 =	vld [tilespmem:s14+$0x0];
	_ =	sdelay $0x4  }
0x9e: {  	v5 =	vshll.u32 v4, $0x3  }
0x9f: {  	v4 =	vand.u32 $0x7, v4;
	v5 =	vand.u32 $0xFFFFFFC0, v5  }
0xa0: {  	v4 =	vor.u32 v4, v5  }
0xa1: {  	v5 =	vperm.xlane v4, v1;
	_ =	sdelay $0x1  }
0xa2: {  	v5 =	vadd.s32 v2, v5;
	_ =	sdelay $0x4  }
0xa3: {  	[tilespmem:s16], [sflag:$0x1] =	stream.indirect_vreg.gather [hbm4b:s2+s3], $0x80, v5, vm0, $0xb8;
	[tilespmem:$0xA800] =	vst v63  }
0xa4: {  	v4 =	vperm.xlane v4, v3  }
0xa5: {  	[tilespmem:s17], [sflag:$0x1] =	stream.indirect_vreg.gather [hbm4b:s6+s3], $0x80, v5, vm0, $0xb8;
	[tilespmem:$0xA800] =	vst v63  }
0xa6: {  	v4 =	vadd.s32 v2, v4  }
0xa7: {  	[tilespmem:s18], [sflag:$0x1] =	stream.indirect_vreg.gather [hbm4b:s7+s3], $0x80, v5, vm0, $0xb8;
	[tilespmem:$0xA800] =	vst v63  }
0xa8: {  	_ = 	snop  }
0xa9: {  	[tilespmem:s19], [sflag:$0x1] =	stream.indirect_vreg.gather [hbm4b:s8+s3], $0x80, v5, vm0, $0xb8;
	[tilespmem:$0xA800] =	vst v63  }
0xaa: {  	_ = 	snop  }
0xab: {  	[tilespmem:s20], [sflag:$0x1] =	stream.indirect_vreg.gather [hbm4b:s2+s3], $0x80, v4, vm0, $0xb8;
	[tilespmem:$0xA800] =	vst v63  }
0xac: {  	_ = 	snop  }
0xad: {  	[tilespmem:s21], [sflag:$0x1] =	stream.indirect_vreg.gather [hbm4b:s6+s3], $0x80, v4, vm0, $0xb8;
	[tilespmem:$0xA800] =	vst v63  }
0xae: {  	_ = 	snop  }
0xaf: {  	[tilespmem:s22], [sflag:$0x1] =	stream.indirect_vreg.gather [hbm4b:s7+s3], $0x80, v4, vm0, $0xb8;
	[tilespmem:$0xA800] =	vst v63  }
0xb0: {  	p0 =	sne.s32 s13, $0x3A0000  }
0xb1: {  	[tilespmem:s23], [sflag:$0x1] =	stream.indirect_vreg.gather [hbm4b:s8+s3], $0x80, v4, vm0, $0xb8;
	[tilespmem:$0xA800] =	vst v63  }
.Ltmp1:
0xb2: {  	_ = 	snop;
	(pc) =	sbr.rel @p0 .LBB2_4-.Ltmp1, $4  }
0xb3: {  	s9 =	sadd.s32 $0x100000, s9;
	_ =	swait.ge [sflag:s10], $0x4000  }
0xb4: {  	s14 =	sadd.s32 $0x100, s14;
	s15 =	rddreg [dreg:$0x4];
	[sflag:s10] =	ssyncset.done $0x0  }
0xb5: {  	[sflag:s10] =	ssyncadd.s32 $0xFFFFC000;
	s15 =	sadd.s32 s13, s15;
	s13 =	sadd.s32 $0x20000, s13  }
0xb6: {  	[hbm4b:s15+s3] =	stream.linear.scatter [tilespmem:s24], [sflag:$0x4], $0x4000, $0x38;
	[tilespmem:$0xA800] =	vst v63  }
0xb7: {  	_ =	swait.ge [sflag:s11], $0x4000  }
0xb8: {  	[sflag:s11] =	ssyncset.done $0x0  }
0xb9: {  	[sflag:s11] =	ssyncadd.s32 $0xFFFFC000  }
0xba: {  	v4 =	vld [tilespmem:$0x2780];
	_ =	sdelay $0x4  }
0xbb: {  	v5 =	vshll.u32 v4, $0x3  }
0xbc: {  	v4 =	vand.u32 $0x7, v4;
	v5 =	vand.u32 $0xFFFFFFC0, v5  }
0xbd: {  	v4 =	vor.u32 v4, v5  }
0xbe: {  	v5 =	vperm.xlane v4, v1;
	_ =	sdelay $0x1  }
0xbf: {  	v5 =	vadd.s32 v2, v5;
	_ =	sdelay $0x4  }
0xc0: {  	[tilespmem:s24], [sflag:$0x2] =	stream.indirect_vreg.gather [hbm4b:s2+s3], $0x80, v5, vm0, $0xb8;
	[tilespmem:$0xA800] =	vst v63  }
0xc1: {  	v4 =	vperm.xlane v4, v3  }
0xc2: {  	[tilespmem:s25], [sflag:$0x2] =	stream.indirect_vreg.gather [hbm4b:s6+s3], $0x80, v5, vm0, $0xb8;
	[tilespmem:$0xA800] =	vst v63  }
0xc3: {  	v4 =	vadd.s32 v2, v4  }
0xc4: {  	[tilespmem:s26], [sflag:$0x2] =	stream.indirect_vreg.gather [hbm4b:s7+s3], $0x80, v5, vm0, $0xb8;
	[tilespmem:$0xA800] =	vst v63  }
0xc5: {  	_ = 	snop  }
0xc6: {  	[tilespmem:s28], [sflag:$0x2] =	stream.indirect_vreg.gather [hbm4b:s8+s3], $0x80, v5, vm0, $0xb8;
	[tilespmem:$0xA800] =	vst v63  }
0xc7: {  	_ = 	snop  }
0xc8: {  	[tilespmem:s29], [sflag:$0x2] =	stream.indirect_vreg.gather [hbm4b:s2+s3], $0x80, v4, vm0, $0xb8;
	[tilespmem:$0xA800] =	vst v63  }
0xc9: {  	_ = 	snop  }
0xca: {  	[tilespmem:s30], [sflag:$0x2] =	stream.indirect_vreg.gather [hbm4b:s6+s3], $0x80, v4, vm0, $0xb8;
	[tilespmem:$0xA800] =	vst v63  }
0xcb: {  	_ = 	snop  }
0xcc: {  	[tilespmem:s31], [sflag:$0x2] =	stream.indirect_vreg.gather [hbm4b:s7+s3], $0x80, v4, vm0, $0xb8;
	[tilespmem:$0xA800] =	vst v63  }
0xcd: {  	_ = 	snop  }
0xce: {  	[tilespmem:s0], [sflag:$0x2] =	stream.indirect_vreg.gather [hbm4b:s8+s3], $0x80, v4, vm0, $0xb8;
	[tilespmem:$0xA800] =	vst v63  }
0xcf: {  	_ =	swait.ge [sflag:s1], $0x4000  }
0xd0: {  	[sflag:s1] =	ssyncset.done $0x0  }
0xd1: {  	s9 =	rddreg [dreg:$0x9];
	[sflag:s1] =	ssyncadd.s32 $0xFFFFC000  }
0xd2: {  	[hbm4b:s9+s3] =	stream.linear.scatter [tilespmem:s16], [sflag:$0x3], $0x4000, $0x38;
	[tilespmem:$0xA800] =	vst v63  }
0xd3: {  	_ =	swait.ge [sflag:s5], $0x4000  }
0xd4: {  	[sflag:s5] =	ssyncset.done $0x0  }
0xd5: {  	[sflag:s5] =	ssyncadd.s32 $0xFFFFC000  }
0xd6: {  	_ =	swait.ge [sflag:s10], $0x4000  }
0xd7: {  	[sflag:s10] =	ssyncset.done $0x0  }
0xd8: {  	s14 =	rddreg [dreg:$0xa];
	[sflag:s10] =	ssyncadd.s32 $0xFFFFC000  }
0xd9: {  	[hbm4b:s14+s3] =	stream.linear.scatter [tilespmem:s24], [sflag:$0x4], $0x4000, $0x38;
	[tilespmem:$0xA800] =	vst v63  }
0xda: {  	_ =	swait.ge [sflag:s11], $0x4000  }
0xdb: {  	s12 =	sadd.s32 $0x1, s12;
	s15 =	rddreg [dreg:$0x7]  }
0xdc: {  	p0 =	sne.s32 s12, s15  }
.Ltmp2:
0xdd: {  	_ = 	snop;
	(pc) =	sbr.rel @p0 .LBB2_1-.Ltmp2, $3  }
0xde: {  	_ =	sdelay $0x1  }
0xdf: {  	[sflag:s11] =	ssyncset.done $0x0  }
0xe0: {  	[sflag:s11] =	ssyncadd.s32 $0xFFFFC000  }
0xe1: {  	_ =	sfence.sel $0x180000  }
0xe2: {  	[bflag:$0x0] =	sbarrier.arrive $0xFFFF  }
0xe3: {  	_ =	strace $0x90000047  }
0xe4: {  	s0 =	stileid.u32;
	[bflag:$0x2] =	sbarrier.arrive $0xFFFF  }
0xe5: {  	p0 =	sne.s32 s0, $0x0;
	s0 =	rddreg [dreg:$0x3]  }
0xe6: {  	s0 =	sadd.s32 @!p0 $0x100000, s0  }
0xe7: {  	[sflag:s0] =	ssyncadd.tile.s32 @!p0 $0x1;
	_ =	shalt  }
.Lfunc_end2:
_tile_overlayer_lowered:
.L_overlay_start_2:
0xe8: {  	(tag) =	ssettag $0x2  }
0xe9: {  	s0 =	rddreg [dreg:$0x0];
	s2 =	stileid.u32  }
0xea: {  	s1 =	rddreg [dreg:$0x1];
	p0 =	sne.s32 s2, $0x0  }
0xeb: {  	s3 =	rddreg [dreg:$0x2];
	[bflag:$0x3] =	sbarrier.arrive $0xFFFF;
	s2 =	simm.s32 @!p0 $0x1C05  }
0xec: {  	[timem:s3], [sflag:s2] =	dma.local @!p0 [hbm:s0], s1  }
0xed: {  	s0 =	simm.s32 @!p0 $0x5  }
0xee: {  	_ =	swait.ge @!p0 [sflag:s0], s1  }
0xef: {  	s1 =	ssub.s32 @!p0 $0x0, s1;
	[sflag:s0] =	ssyncset.done @!p0 $0x0  }
0xf0: {  	[sflag:s0] =	ssyncadd.s32 @!p0 s1  }
0xf1: {  	[bflag:$0x3] =	sbarrier.arrive $0xFFFF  }
0xf2: {  	_ =	shalt  }

</sc_bundles>
